<compile_context>
chip_gen: v7x
topology: tpu7x:2x2x1
jax: 0.10.2.dev20260603
libtpu: 0.0.44.dev20260713+nightly
codegen_flags: <defaults>
</compile_context>

<pallas_src>
import functools

import jax
import jax.numpy as jnp
from jax import lax
from jax.experimental import pallas as pl
from jax.experimental.pallas import tpu as pltpu
from jax.experimental.pallas import tpu_sc as plsc

WORD_DIM = 128
MAX_NORM = 1.0

NUM_CORES = 2
NUM_SUBCORES = 16
NUM_WORKERS = NUM_CORES * NUM_SUBCORES

CHUNK = 128


def _prescale_body(w_ref, out_ref):
    x = w_ref[...]
    ones = jnp.ones((WORD_DIM, WORD_DIM), jnp.float32)
    nsq = jax.lax.dot_general(
        x * x, ones, (((1,), (0,)), ((), ())),
        preferred_element_type=jnp.float32,
    )
    scale = jnp.where(nsq > MAX_NORM * MAX_NORM, jax.lax.rsqrt(nsq), 1.0)
    out_ref[...] = x * scale


def _prescale(W):
    rows = W.shape[0]
    blk = 10000
    assert rows % blk == 0
    return pl.pallas_call(
        _prescale_body,
        grid=(rows // blk,),
        in_specs=[pl.BlockSpec((blk, WORD_DIM), lambda i: (i, 0))],
        out_specs=pl.BlockSpec((blk, WORD_DIM), lambda i: (i, 0)),
        out_shape=jax.ShapeDtypeStruct((rows, WORD_DIM), jnp.float32),
    )(W)


def _make_gather(batch, seq):
    assert batch % (NUM_WORKERS * CHUNK) == 0 or batch == NUM_WORKERS * CHUNK
    assert batch == NUM_WORKERS * CHUNK
    mesh = plsc.VectorSubcoreMesh(core_axis_name="c", subcore_axis_name="s")

    NBUF = 5
    assert seq % NBUF == 0

    @functools.partial(
        pl.kernel,
        out_type=jax.ShapeDtypeStruct((seq, batch, WORD_DIM), jnp.float32),
        mesh=mesh,
        scratch_types=[
            pltpu.VMEM((seq, CHUNK), jnp.int32),
            [pltpu.VMEM((CHUNK, WORD_DIM), jnp.float32) for _ in range(NBUF)],
            [pltpu.SemaphoreType.DMA for _ in range(NBUF)],
            [pltpu.SemaphoreType.DMA for _ in range(NBUF)],
        ],
    )
    def gather_kernel(idx_hbm, table_hbm, out_hbm, idx_v, bufs, gsems, ssems):
        wid = lax.axis_index("s") * NUM_CORES + lax.axis_index("c")
        col = wid * CHUNK
        pltpu.sync_copy(idx_hbm.at[wid], idx_v)

        def start_gather(t, b):
            pltpu.async_copy(table_hbm.at[idx_v.at[t]], bufs[b], gsems[b])

        def wait_gather(b):
            pltpu.make_async_copy(
                table_hbm.at[idx_v.at[0]], bufs[b], gsems[b]
            ).wait()

        def start_store(t, b):
            pltpu.async_copy(bufs[b], out_hbm.at[t, pl.ds(col, CHUNK)], ssems[b])

        def wait_store(b):
            pltpu.make_async_copy(
                bufs[b], out_hbm.at[0, pl.ds(col, CHUNK)], ssems[b]
            ).wait()

        for b in range(NBUF - 1):
            start_gather(b, b)

        def body(i, _):
            for k in range(NBUF):
                t = NBUF * i + k
                wait_gather(k)
                start_store(t, k)
                nb = (k + NBUF - 1) % NBUF
                nt = t + NBUF - 1

                @pl.when(nt < seq)
                def _():
                    @pl.when(nt >= NBUF)
                    def _():
                        wait_store(nb)

                    start_gather(nt, nb)

            return 0

        lax.fori_loop(0, seq // NBUF, body, 0)
        for b in range(NBUF):
            wait_store(b)

    return gather_kernel


@jax.jit
def kernel(indices, W):
    B, L = indices.shape
    scaled = _prescale(W)
    idx3 = jnp.transpose(
        indices.astype(jnp.int32).reshape(NUM_WORKERS, CHUNK, L), (0, 2, 1)
    )
    out_t = _make_gather(B, L)(idx3, scaled)
    return jnp.transpose(out_t, (1, 0, 2))

# --- scband reference (transcript-rebuilt; emitter-appended) ---
"""Pipeline reference for scband-speaker-48644799594720 (READ-ONLY COPY).

The authoritative reference and input builder live on the scoring server;
editing this copy changes nothing except your own understanding.
"""

import jax, jax.numpy as jnp
import numpy as np

WORD_SET_SIZE = 100000
WORD_DIM = 128
MAX_NORM = 1.0

def setup_inputs(seed: int = 0) -> dict:
    key = jax.random.key(seed)
    k1, k2 = jax.random.split(key)
    indices = jax.random.randint(k1, (4096, 50), 0, WORD_SET_SIZE, dtype=jnp.int64 if jax.config.read('jax_enable_x64') else jnp.int32)
    W = jax.random.normal(k2, (WORD_SET_SIZE, WORD_DIM), dtype=jnp.float32)
    return {"indices": indices, "W": W}

def reference(indices, W):
    # nn.Embedding(word_set_size, word_dim_length, max_norm=MAX_NORM)
    # PyTorch semantics: gathered rows are renormalized if their L2 norm
    # exceeds max_norm (torch.renorm with eps=1e-7).
    gathered = jnp.take(W, indices, axis=0)  # [B, L, D]
    norm = jnp.linalg.norm(gathered, axis=-1, keepdims=True)
    scale = jnp.where(norm > MAX_NORM, MAX_NORM / (norm + 1e-7), 1.0)
    return gathered * scale

if __name__ == "__main__":
    import jax
    _d = setup_inputs()
    print(jax.jit(kernel)(*tuple(_d.values())))

</pallas_src>

<mosaic_0001>
#map = affine_map<(d0, d1) -> (0, 0, 0)>
#map1 = affine_map<(d0, d1) -> (0, 0)>
module attributes {stable_mosaic.version = 14 : i64} {
  func.func @gather_kernel(%arg0: i32, %arg1: i32, %arg2: memref<32x50x128xi32, #tpu.memory_space<hbm>>, %arg3: memref<100000x128xf32, #tpu.memory_space<hbm>>, %arg4: memref<50x4096x128xf32, #tpu.memory_space<hbm>>, %arg5: memref<50x128xi32, #tpu.memory_space<vmem>>, %arg6: memref<128x128xf32, #tpu.memory_space<vmem>>, %arg7: memref<128x128xf32, #tpu.memory_space<vmem>>, %arg8: memref<128x128xf32, #tpu.memory_space<vmem>>, %arg9: memref<128x128xf32, #tpu.memory_space<vmem>>, %arg10: memref<128x128xf32, #tpu.memory_space<vmem>>, %arg11: memref<!tpu.dma_semaphore, #tpu.memory_space<semaphore_mem>>, %arg12: memref<!tpu.dma_semaphore, #tpu.memory_space<semaphore_mem>>, %arg13: memref<!tpu.dma_semaphore, #tpu.memory_space<semaphore_mem>>, %arg14: memref<!tpu.dma_semaphore, #tpu.memory_space<semaphore_mem>>, %arg15: memref<!tpu.dma_semaphore, #tpu.memory_space<semaphore_mem>>, %arg16: memref<!tpu.dma_semaphore, #tpu.memory_space<semaphore_mem>>, %arg17: memref<!tpu.dma_semaphore, #tpu.memory_space<semaphore_mem>>, %arg18: memref<!tpu.dma_semaphore, #tpu.memory_space<semaphore_mem>>, %arg19: memref<!tpu.dma_semaphore, #tpu.memory_space<semaphore_mem>>, %arg20: memref<!tpu.dma_semaphore, #tpu.memory_space<semaphore_mem>>) attributes {dimension_semantics = [#tpu.dimension_semantics<core_parallel>, #tpu.dimension_semantics<subcore_parallel>], iteration_bounds = array<i64: 2, 16>, scalar_prefetch = 0 : i64, scratch_operands = 16 : i64, tpu.core_type = #tpu.core_type<sc_vector_subcore>, window_params = [{transform_indices = #map}, {transform_indices = #map1}, {transform_indices = #map}]} {
    %mul3A = arith.constant 2 : i32
    %mul3A_0 = arith.muli %arg1, %mul3A : i32
    %add3A = arith.addi %mul3A_0, %arg0 : i32
    %mul3A_1 = arith.constant 128 : i32
    %mul3A_2 = arith.muli %add3A, %mul3A_1 : i32
    "tpu.region"() ({
      %run_scoped3A = tpu.sem_alloc : memref<!tpu.dma_semaphore, #tpu.memory_space<semaphore_mem>>
      %dma_start3A_70 = arith.constant 0 : i32
      %dma_start3A_71 = arith.constant 0 : i32
      %dma_start3A_72 = tpu.memref_slice %arg2[%add3A, %dma_start3A_70, %dma_start3A_71] : memref<32x50x128xi32, #tpu.memory_space<hbm>> -> memref<1x50x128xi32, #tpu.memory_space<hbm>>
      %dma_start3A_73 = tpu.memref_squeeze %dma_start3A_72 : memref<1x50x128xi32, #tpu.memory_space<hbm>> -> memref<50x128xi32, #tpu.memory_space<hbm>>
      %dma_start3A_74 = arith.constant 0 : i32
      %dma_start3A_75 = arith.constant 0 : i32
      %dma_start3A_76 = tpu.memref_slice %arg2[%add3A, %dma_start3A_74, %dma_start3A_75] : memref<32x50x128xi32, #tpu.memory_space<hbm>> -> memref<1x50x128xi32, #tpu.memory_space<hbm>>
      %dma_start3A_77 = tpu.memref_squeeze %dma_start3A_76 : memref<1x50x128xi32, #tpu.memory_space<hbm>> -> memref<50x128xi32, #tpu.memory_space<hbm>>
      tpu.enqueue_dma source(%dma_start3A_77 : memref<50x128xi32, #tpu.memory_space<hbm>>) target(%arg5 : memref<50x128xi32, #tpu.memory_space<vmem>>) target_semaphore(%run_scoped3A : memref<!tpu.dma_semaphore, #tpu.memory_space<semaphore_mem>>)
      %dma_wait3A_78 = arith.constant 0 : i32
      %dma_wait3A_79 = arith.constant 0 : i32
      %dma_wait3A_80 = tpu.memref_slice %arg2[%add3A, %dma_wait3A_78, %dma_wait3A_79] : memref<32x50x128xi32, #tpu.memory_space<hbm>> -> memref<1x50x128xi32, #tpu.memory_space<hbm>>
      %dma_wait3A_81 = tpu.memref_squeeze %dma_wait3A_80 : memref<1x50x128xi32, #tpu.memory_space<hbm>> -> memref<50x128xi32, #tpu.memory_space<hbm>>
      %dma_wait3A_82 = arith.constant 0 : i32
      %dma_wait3A_83 = arith.constant 0 : i32
      %dma_wait3A_84 = tpu.memref_slice %arg2[%add3A, %dma_wait3A_82, %dma_wait3A_83] : memref<32x50x128xi32, #tpu.memory_space<hbm>> -> memref<1x50x128xi32, #tpu.memory_space<hbm>>
      %dma_wait3A_85 = tpu.memref_squeeze %dma_wait3A_84 : memref<1x50x128xi32, #tpu.memory_space<hbm>> -> memref<50x128xi32, #tpu.memory_space<hbm>>
      tpu.wait_dma2 semaphore(%run_scoped3A : memref<!tpu.dma_semaphore, #tpu.memory_space<semaphore_mem>>) src(%dma_wait3A_85 : memref<50x128xi32, #tpu.memory_space<hbm>>) dst(%arg5 : memref<50x128xi32, #tpu.memory_space<vmem>>)
      tpu.yield
    }) : () -> ()
    %dma_start3A = arith.constant 0 : i32
    %dma_start3A_3 = arith.constant 0 : i32
    %dma_start3A_4 = tpu.memref_slice %arg5[%dma_start3A, %dma_start3A_3] : memref<50x128xi32, #tpu.memory_space<vmem>> -> memref<1x128xi32, #tpu.memory_space<vmem>>
    %dma_start3A_5 = tpu.memref_squeeze %dma_start3A_4 : memref<1x128xi32, #tpu.memory_space<vmem>> -> memref<128xi32, #tpu.memory_space<vmem>>
    %dma_start3A_6 = arith.constant 0 : i32
    %dma_start3A_7 = arith.constant 0 : i32
    %dma_start3A_8 = tpu.memref_slice %arg3[%dma_start3A_6, %dma_start3A_7] : memref<100000x128xf32, #tpu.memory_space<hbm>> -> memref<100000x128xf32, #tpu.memory_space<hbm>>
    tpu.enqueue_indirect_dma source(%dma_start3A_8 : memref<100000x128xf32, #tpu.memory_space<hbm>>) target(%arg6 : memref<128x128xf32, #tpu.memory_space<vmem>>) offsets(%dma_start3A_5 : memref<128xi32, #tpu.memory_space<vmem>>) semaphore(%arg11 : memref<!tpu.dma_semaphore, #tpu.memory_space<semaphore_mem>>)
    %dma_start3A_9 = arith.constant 1 : i32
    %dma_start3A_10 = arith.constant 0 : i32
    %dma_start3A_11 = tpu.memref_slice %arg5[%dma_start3A_9, %dma_start3A_10] : memref<50x128xi32, #tpu.memory_space<vmem>> -> memref<1x128xi32, #tpu.memory_space<vmem>>
    %dma_start3A_12 = tpu.memref_squeeze %dma_start3A_11 : memref<1x128xi32, #tpu.memory_space<vmem>> -> memref<128xi32, #tpu.memory_space<vmem>>
    %dma_start3A_13 = arith.constant 0 : i32
    %dma_start3A_14 = arith.constant 0 : i32
    %dma_start3A_15 = tpu.memref_slice %arg3[%dma_start3A_13, %dma_start3A_14] : memref<100000x128xf32, #tpu.memory_space<hbm>> -> memref<100000x128xf32, #tpu.memory_space<hbm>>
    tpu.enqueue_indirect_dma source(%dma_start3A_15 : memref<100000x128xf32, #tpu.memory_space<hbm>>) target(%arg7 : memref<128x128xf32, #tpu.memory_space<vmem>>) offsets(%dma_start3A_12 : memref<128xi32, #tpu.memory_space<vmem>>) semaphore(%arg12 : memref<!tpu.dma_semaphore, #tpu.memory_space<semaphore_mem>>)
    %dma_start3A_16 = arith.constant 2 : i32
    %dma_start3A_17 = arith.constant 0 : i32
    %dma_start3A_18 = tpu.memref_slice %arg5[%dma_start3A_16, %dma_start3A_17] : memref<50x128xi32, #tpu.memory_space<vmem>> -> memref<1x128xi32, #tpu.memory_space<vmem>>
    %dma_start3A_19 = tpu.memref_squeeze %dma_start3A_18 : memref<1x128xi32, #tpu.memory_space<vmem>> -> memref<128xi32, #tpu.memory_space<vmem>>
    %dma_start3A_20 = arith.constant 0 : i32
    %dma_start3A_21 = arith.constant 0 : i32
    %dma_start3A_22 = tpu.memref_slice %arg3[%dma_start3A_20, %dma_start3A_21] : memref<100000x128xf32, #tpu.memory_space<hbm>> -> memref<100000x128xf32, #tpu.memory_space<hbm>>
    tpu.enqueue_indirect_dma source(%dma_start3A_22 : memref<100000x128xf32, #tpu.memory_space<hbm>>) target(%arg8 : memref<128x128xf32, #tpu.memory_space<vmem>>) offsets(%dma_start3A_19 : memref<128xi32, #tpu.memory_space<vmem>>) semaphore(%arg13 : memref<!tpu.dma_semaphore, #tpu.memory_space<semaphore_mem>>)
    %dma_start3A_23 = arith.constant 3 : i32
    %dma_start3A_24 = arith.constant 0 : i32
    %dma_start3A_25 = tpu.memref_slice %arg5[%dma_start3A_23, %dma_start3A_24] : memref<50x128xi32, #tpu.memory_space<vmem>> -> memref<1x128xi32, #tpu.memory_space<vmem>>
    %dma_start3A_26 = tpu.memref_squeeze %dma_start3A_25 : memref<1x128xi32, #tpu.memory_space<vmem>> -> memref<128xi32, #tpu.memory_space<vmem>>
    %dma_start3A_27 = arith.constant 0 : i32
    %dma_start3A_28 = arith.constant 0 : i32
    %dma_start3A_29 = tpu.memref_slice %arg3[%dma_start3A_27, %dma_start3A_28] : memref<100000x128xf32, #tpu.memory_space<hbm>> -> memref<100000x128xf32, #tpu.memory_space<hbm>>
    tpu.enqueue_indirect_dma source(%dma_start3A_29 : memref<100000x128xf32, #tpu.memory_space<hbm>>) target(%arg9 : memref<128x128xf32, #tpu.memory_space<vmem>>) offsets(%dma_start3A_26 : memref<128xi32, #tpu.memory_space<vmem>>) semaphore(%arg14 : memref<!tpu.dma_semaphore, #tpu.memory_space<semaphore_mem>>)
    %scan3A = arith.constant 0 : i32
    %scan3A_30 = arith.constant 0 : i32
    %scan3A_31 = arith.constant 10 : i32
    %scan3A_32 = arith.addi %scan3A_30, %scan3A_31 : i32
    %scan3A_33 = arith.constant 1 : i32
    %scan3A_34 = scf.for %scan3A_70 = %scan3A_30 to %scan3A_32 step %scan3A_33 iter_args(%scan3A_71 = %scan3A) -> (i32)  : i32 {
      %mul3A_72 = arith.constant 5 : i32
      %mul3A_73 = arith.muli %mul3A_72, %scan3A_70 : i32
      %add3A_74 = arith.constant 0 : i32
      %add3A_75 = arith.addi %mul3A_73, %add3A_74 : i32
      %dma_wait3A_76 = arith.constant 0 : i32
      %dma_wait3A_77 = arith.constant 0 : i32
      %dma_wait3A_78 = tpu.memref_slice %arg5[%dma_wait3A_76, %dma_wait3A_77] : memref<50x128xi32, #tpu.memory_space<vmem>> -> memref<1x128xi32, #tpu.memory_space<vmem>>
      %dma_wait3A_79 = tpu.memref_squeeze %dma_wait3A_78 : memref<1x128xi32, #tpu.memory_space<vmem>> -> memref<128xi32, #tpu.memory_space<vmem>>
      %dma_wait3A_80 = arith.constant 0 : i32
      %dma_wait3A_81 = arith.constant 0 : i32
      %dma_wait3A_82 = tpu.memref_slice %arg3[%dma_wait3A_80, %dma_wait3A_81] : memref<100000x128xf32, #tpu.memory_space<hbm>> -> memref<100000x128xf32, #tpu.memory_space<hbm>>
      tpu.wait_indirect_dma semaphore(%arg11 : memref<!tpu.dma_semaphore, #tpu.memory_space<semaphore_mem>>) src(%dma_wait3A_82 : memref<100000x128xf32, #tpu.memory_space<hbm>>) dst(%arg6 : memref<128x128xf32, #tpu.memory_space<vmem>>)
      %dma_start3A_83 = arith.constant 0 : i32
      %dma_start3A_84 = tpu.memref_slice %arg4[%add3A_75, %mul3A_2, %dma_start3A_83] : memref<50x4096x128xf32, #tpu.memory_space<hbm>> -> memref<1x128x128xf32, #tpu.memory_space<hbm>>
      %dma_start3A_85 = tpu.memref_squeeze %dma_start3A_84 : memref<1x128x128xf32, #tpu.memory_space<hbm>> -> memref<128x128xf32, #tpu.memory_space<hbm>>
      %dma_start3A_86 = arith.constant 0 : i32
      %dma_start3A_87 = tpu.memref_slice %arg4[%add3A_75, %mul3A_2, %dma_start3A_86] : memref<50x4096x128xf32, #tpu.memory_space<hbm>> -> memref<1x128x128xf32, #tpu.memory_space<hbm>>
      %dma_start3A_88 = tpu.memref_squeeze %dma_start3A_87 : memref<1x128x128xf32, #tpu.memory_space<hbm>> -> memref<128x128xf32, #tpu.memory_space<hbm>>
      tpu.enqueue_dma source(%arg6 : memref<128x128xf32, #tpu.memory_space<vmem>>) target(%dma_start3A_88 : memref<128x128xf32, #tpu.memory_space<hbm>>) target_semaphore(%arg16 : memref<!tpu.dma_semaphore, #tpu.memory_space<semaphore_mem>>)
      %add3A_89 = arith.constant 5 : i32
      %add3A_90 = arith.addi %add3A_75, %add3A_89 : i32
      %sub3A = arith.constant 1 : i32
      %sub3A_91 = arith.subi %add3A_90, %sub3A : i32
      %lt3A = arith.constant 50 : i32
      %lt3A_92 = arith.cmpi slt, %sub3A_91, %lt3A : i32
      %convert_element_type3A = arith.extui %lt3A_92 : i1 to i32
      %cond3A = arith.constant 0 : i32
      %cond3A_93 = arith.cmpi ne, %convert_element_type3A, %cond3A : i32
      scf.if %cond3A_93 {
        %ge3A = arith.constant 5 : i32
        %ge3A_199 = arith.cmpi sge, %sub3A_91, %ge3A : i32
        %convert_element_type3A_200 = arith.extui %ge3A_199 : i1 to i32
        %cond3A_201 = arith.constant 0 : i32
        %cond3A_202 = arith.cmpi ne, %convert_element_type3A_200, %cond3A_201 : i32
        scf.if %cond3A_202 {
          %dma_wait3A_209 = arith.constant 0 : i32
          %dma_wait3A_210 = arith.constant 0 : i32
          %dma_wait3A_211 = tpu.memref_slice %arg4[%dma_wait3A_209, %mul3A_2, %dma_wait3A_210] : memref<50x4096x128xf32, #tpu.memory_space<hbm>> -> memref<1x128x128xf32, #tpu.memory_space<hbm>>
          %dma_wait3A_212 = tpu.memref_squeeze %dma_wait3A_211 : memref<1x128x128xf32, #tpu.memory_space<hbm>> -> memref<128x128xf32, #tpu.memory_space<hbm>>
          %dma_wait3A_213 = arith.constant 0 : i32
          %dma_wait3A_214 = tpu.memref_slice %arg4[%dma_wait3A_209, %mul3A_2, %dma_wait3A_213] : memref<50x4096x128xf32, #tpu.memory_space<hbm>> -> memref<1x128x128xf32, #tpu.memory_space<hbm>>
          %dma_wait3A_215 = tpu.memref_squeeze %dma_wait3A_214 : memref<1x128x128xf32, #tpu.memory_space<hbm>> -> memref<128x128xf32, #tpu.memory_space<hbm>>
          tpu.wait_dma2 semaphore(%arg20 : memref<!tpu.dma_semaphore, #tpu.memory_space<semaphore_mem>>) src(%arg10 : memref<128x128xf32, #tpu.memory_space<vmem>>) dst(%dma_wait3A_215 : memref<128x128xf32, #tpu.memory_space<hbm>>)
        } else {
        }
        %dma_start3A_203 = arith.constant 0 : i32
        %dma_start3A_204 = tpu.memref_slice %arg5[%sub3A_91, %dma_start3A_203] : memref<50x128xi32, #tpu.memory_space<vmem>> -> memref<1x128xi32, #tpu.memory_space<vmem>>
        %dma_start3A_205 = tpu.memref_squeeze %dma_start3A_204 : memref<1x128xi32, #tpu.memory_space<vmem>> -> memref<128xi32, #tpu.memory_space<vmem>>
        %dma_start3A_206 = arith.constant 0 : i32
        %dma_start3A_207 = arith.constant 0 : i32
        %dma_start3A_208 = tpu.memref_slice %arg3[%dma_start3A_206, %dma_start3A_207] : memref<100000x128xf32, #tpu.memory_space<hbm>> -> memref<100000x128xf32, #tpu.memory_space<hbm>>
        tpu.enqueue_indirect_dma source(%dma_start3A_208 : memref<100000x128xf32, #tpu.memory_space<hbm>>) target(%arg10 : memref<128x128xf32, #tpu.memory_space<vmem>>) offsets(%dma_start3A_205 : memref<128xi32, #tpu.memory_space<vmem>>) semaphore(%arg15 : memref<!tpu.dma_semaphore, #tpu.memory_space<semaphore_mem>>)
      } else {
      }
      %mul3A_94 = arith.constant 5 : i32
      %mul3A_95 = arith.muli %mul3A_94, %scan3A_70 : i32
      %add3A_96 = arith.constant 1 : i32
      %add3A_97 = arith.addi %mul3A_95, %add3A_96 : i32
      %dma_wait3A_98 = arith.constant 0 : i32
      %dma_wait3A_99 = arith.constant 0 : i32
      %dma_wait3A_100 = tpu.memref_slice %arg5[%dma_wait3A_98, %dma_wait3A_99] : memref<50x128xi32, #tpu.memory_space<vmem>> -> memref<1x128xi32, #tpu.memory_space<vmem>>
      %dma_wait3A_101 = tpu.memref_squeeze %dma_wait3A_100 : memref<1x128xi32, #tpu.memory_space<vmem>> -> memref<128xi32, #tpu.memory_space<vmem>>
      %dma_wait3A_102 = arith.constant 0 : i32
      %dma_wait3A_103 = arith.constant 0 : i32
      %dma_wait3A_104 = tpu.memref_slice %arg3[%dma_wait3A_102, %dma_wait3A_103] : memref<100000x128xf32, #tpu.memory_space<hbm>> -> memref<100000x128xf32, #tpu.memory_space<hbm>>
      tpu.wait_indirect_dma semaphore(%arg12 : memref<!tpu.dma_semaphore, #tpu.memory_space<semaphore_mem>>) src(%dma_wait3A_104 : memref<100000x128xf32, #tpu.memory_space<hbm>>) dst(%arg7 : memref<128x128xf32, #tpu.memory_space<vmem>>)
      %dma_start3A_105 = arith.constant 0 : i32
      %dma_start3A_106 = tpu.memref_slice %arg4[%add3A_97, %mul3A_2, %dma_start3A_105] : memref<50x4096x128xf32, #tpu.memory_space<hbm>> -> memref<1x128x128xf32, #tpu.memory_space<hbm>>
      %dma_start3A_107 = tpu.memref_squeeze %dma_start3A_106 : memref<1x128x128xf32, #tpu.memory_space<hbm>> -> memref<128x128xf32, #tpu.memory_space<hbm>>
      %dma_start3A_108 = arith.constant 0 : i32
      %dma_start3A_109 = tpu.memref_slice %arg4[%add3A_97, %mul3A_2, %dma_start3A_108] : memref<50x4096x128xf32, #tpu.memory_space<hbm>> -> memref<1x128x128xf32, #tpu.memory_space<hbm>>
      %dma_start3A_110 = tpu.memref_squeeze %dma_start3A_109 : memref<1x128x128xf32, #tpu.memory_space<hbm>> -> memref<128x128xf32, #tpu.memory_space<hbm>>
      tpu.enqueue_dma source(%arg7 : memref<128x128xf32, #tpu.memory_space<vmem>>) target(%dma_start3A_110 : memref<128x128xf32, #tpu.memory_space<hbm>>) target_semaphore(%arg17 : memref<!tpu.dma_semaphore, #tpu.memory_space<semaphore_mem>>)
      %add3A_111 = arith.constant 5 : i32
      %add3A_112 = arith.addi %add3A_97, %add3A_111 : i32
      %sub3A_113 = arith.constant 1 : i32
      %sub3A_114 = arith.subi %add3A_112, %sub3A_113 : i32
      %lt3A_115 = arith.constant 50 : i32
      %lt3A_116 = arith.cmpi slt, %sub3A_114, %lt3A_115 : i32
      %convert_element_type3A_117 = arith.extui %lt3A_116 : i1 to i32
      %cond3A_118 = arith.constant 0 : i32
      %cond3A_119 = arith.cmpi ne, %convert_element_type3A_117, %cond3A_118 : i32
      scf.if %cond3A_119 {
        %ge3A = arith.constant 5 : i32
        %ge3A_199 = arith.cmpi sge, %sub3A_114, %ge3A : i32
        %convert_element_type3A_200 = arith.extui %ge3A_199 : i1 to i32
        %cond3A_201 = arith.constant 0 : i32
        %cond3A_202 = arith.cmpi ne, %convert_element_type3A_200, %cond3A_201 : i32
        scf.if %cond3A_202 {
          %dma_wait3A_209 = arith.constant 0 : i32
          %dma_wait3A_210 = arith.constant 0 : i32
          %dma_wait3A_211 = tpu.memref_slice %arg4[%dma_wait3A_209, %mul3A_2, %dma_wait3A_210] : memref<50x4096x128xf32, #tpu.memory_space<hbm>> -> memref<1x128x128xf32, #tpu.memory_space<hbm>>
          %dma_wait3A_212 = tpu.memref_squeeze %dma_wait3A_211 : memref<1x128x128xf32, #tpu.memory_space<hbm>> -> memref<128x128xf32, #tpu.memory_space<hbm>>
          %dma_wait3A_213 = arith.constant 0 : i32
          %dma_wait3A_214 = tpu.memref_slice %arg4[%dma_wait3A_209, %mul3A_2, %dma_wait3A_213] : memref<50x4096x128xf32, #tpu.memory_space<hbm>> -> memref<1x128x128xf32, #tpu.memory_space<hbm>>
          %dma_wait3A_215 = tpu.memref_squeeze %dma_wait3A_214 : memref<1x128x128xf32, #tpu.memory_space<hbm>> -> memref<128x128xf32, #tpu.memory_space<hbm>>
          tpu.wait_dma2 semaphore(%arg16 : memref<!tpu.dma_semaphore, #tpu.memory_space<semaphore_mem>>) src(%arg6 : memref<128x128xf32, #tpu.memory_space<vmem>>) dst(%dma_wait3A_215 : memref<128x128xf32, #tpu.memory_space<hbm>>)
        } else {
        }
        %dma_start3A_203 = arith.constant 0 : i32
        %dma_start3A_204 = tpu.memref_slice %arg5[%sub3A_114, %dma_start3A_203] : memref<50x128xi32, #tpu.memory_space<vmem>> -> memref<1x128xi32, #tpu.memory_space<vmem>>
        %dma_start3A_205 = tpu.memref_squeeze %dma_start3A_204 : memref<1x128xi32, #tpu.memory_space<vmem>> -> memref<128xi32, #tpu.memory_space<vmem>>
        %dma_start3A_206 = arith.constant 0 : i32
        %dma_start3A_207 = arith.constant 0 : i32
        %dma_start3A_208 = tpu.memref_slice %arg3[%dma_start3A_206, %dma_start3A_207] : memref<100000x128xf32, #tpu.memory_space<hbm>> -> memref<100000x128xf32, #tpu.memory_space<hbm>>
        tpu.enqueue_indirect_dma source(%dma_start3A_208 : memref<100000x128xf32, #tpu.memory_space<hbm>>) target(%arg6 : memref<128x128xf32, #tpu.memory_space<vmem>>) offsets(%dma_start3A_205 : memref<128xi32, #tpu.memory_space<vmem>>) semaphore(%arg11 : memref<!tpu.dma_semaphore, #tpu.memory_space<semaphore_mem>>)
      } else {
      }
      %mul3A_120 = arith.constant 5 : i32
      %mul3A_121 = arith.muli %mul3A_120, %scan3A_70 : i32
      %add3A_122 = arith.constant 2 : i32
      %add3A_123 = arith.addi %mul3A_121, %add3A_122 : i32
      %dma_wait3A_124 = arith.constant 0 : i32
      %dma_wait3A_125 = arith.constant 0 : i32
      %dma_wait3A_126 = tpu.memref_slice %arg5[%dma_wait3A_124, %dma_wait3A_125] : memref<50x128xi32, #tpu.memory_space<vmem>> -> memref<1x128xi32, #tpu.memory_space<vmem>>
      %dma_wait3A_127 = tpu.memref_squeeze %dma_wait3A_126 : memref<1x128xi32, #tpu.memory_space<vmem>> -> memref<128xi32, #tpu.memory_space<vmem>>
      %dma_wait3A_128 = arith.constant 0 : i32
      %dma_wait3A_129 = arith.constant 0 : i32
      %dma_wait3A_130 = tpu.memref_slice %arg3[%dma_wait3A_128, %dma_wait3A_129] : memref<100000x128xf32, #tpu.memory_space<hbm>> -> memref<100000x128xf32, #tpu.memory_space<hbm>>
      tpu.wait_indirect_dma semaphore(%arg13 : memref<!tpu.dma_semaphore, #tpu.memory_space<semaphore_mem>>) src(%dma_wait3A_130 : memref<100000x128xf32, #tpu.memory_space<hbm>>) dst(%arg8 : memref<128x128xf32, #tpu.memory_space<vmem>>)
      %dma_start3A_131 = arith.constant 0 : i32
      %dma_start3A_132 = tpu.memref_slice %arg4[%add3A_123, %mul3A_2, %dma_start3A_131] : memref<50x4096x128xf32, #tpu.memory_space<hbm>> -> memref<1x128x128xf32, #tpu.memory_space<hbm>>
      %dma_start3A_133 = tpu.memref_squeeze %dma_start3A_132 : memref<1x128x128xf32, #tpu.memory_space<hbm>> -> memref<128x128xf32, #tpu.memory_space<hbm>>
      %dma_start3A_134 = arith.constant 0 : i32
      %dma_start3A_135 = tpu.memref_slice %arg4[%add3A_123, %mul3A_2, %dma_start3A_134] : memref<50x4096x128xf32, #tpu.memory_space<hbm>> -> memref<1x128x128xf32, #tpu.memory_space<hbm>>
      %dma_start3A_136 = tpu.memref_squeeze %dma_start3A_135 : memref<1x128x128xf32, #tpu.memory_space<hbm>> -> memref<128x128xf32, #tpu.memory_space<hbm>>
      tpu.enqueue_dma source(%arg8 : memref<128x128xf32, #tpu.memory_space<vmem>>) target(%dma_start3A_136 : memref<128x128xf32, #tpu.memory_space<hbm>>) target_semaphore(%arg18 : memref<!tpu.dma_semaphore, #tpu.memory_space<semaphore_mem>>)
      %add3A_137 = arith.constant 5 : i32
      %add3A_138 = arith.addi %add3A_123, %add3A_137 : i32
      %sub3A_139 = arith.constant 1 : i32
      %sub3A_140 = arith.subi %add3A_138, %sub3A_139 : i32
      %lt3A_141 = arith.constant 50 : i32
      %lt3A_142 = arith.cmpi slt, %sub3A_140, %lt3A_141 : i32
      %convert_element_type3A_143 = arith.extui %lt3A_142 : i1 to i32
      %cond3A_144 = arith.constant 0 : i32
      %cond3A_145 = arith.cmpi ne, %convert_element_type3A_143, %cond3A_144 : i32
      scf.if %cond3A_145 {
        %ge3A = arith.constant 5 : i32
        %ge3A_199 = arith.cmpi sge, %sub3A_140, %ge3A : i32
        %convert_element_type3A_200 = arith.extui %ge3A_199 : i1 to i32
        %cond3A_201 = arith.constant 0 : i32
        %cond3A_202 = arith.cmpi ne, %convert_element_type3A_200, %cond3A_201 : i32
        scf.if %cond3A_202 {
          %dma_wait3A_209 = arith.constant 0 : i32
          %dma_wait3A_210 = arith.constant 0 : i32
          %dma_wait3A_211 = tpu.memref_slice %arg4[%dma_wait3A_209, %mul3A_2, %dma_wait3A_210] : memref<50x4096x128xf32, #tpu.memory_space<hbm>> -> memref<1x128x128xf32, #tpu.memory_space<hbm>>
          %dma_wait3A_212 = tpu.memref_squeeze %dma_wait3A_211 : memref<1x128x128xf32, #tpu.memory_space<hbm>> -> memref<128x128xf32, #tpu.memory_space<hbm>>
          %dma_wait3A_213 = arith.constant 0 : i32
          %dma_wait3A_214 = tpu.memref_slice %arg4[%dma_wait3A_209, %mul3A_2, %dma_wait3A_213] : memref<50x4096x128xf32, #tpu.memory_space<hbm>> -> memref<1x128x128xf32, #tpu.memory_space<hbm>>
          %dma_wait3A_215 = tpu.memref_squeeze %dma_wait3A_214 : memref<1x128x128xf32, #tpu.memory_space<hbm>> -> memref<128x128xf32, #tpu.memory_space<hbm>>
          tpu.wait_dma2 semaphore(%arg17 : memref<!tpu.dma_semaphore, #tpu.memory_space<semaphore_mem>>) src(%arg7 : memref<128x128xf32, #tpu.memory_space<vmem>>) dst(%dma_wait3A_215 : memref<128x128xf32, #tpu.memory_space<hbm>>)
        } else {
        }
        %dma_start3A_203 = arith.constant 0 : i32
        %dma_start3A_204 = tpu.memref_slice %arg5[%sub3A_140, %dma_start3A_203] : memref<50x128xi32, #tpu.memory_space<vmem>> -> memref<1x128xi32, #tpu.memory_space<vmem>>
        %dma_start3A_205 = tpu.memref_squeeze %dma_start3A_204 : memref<1x128xi32, #tpu.memory_space<vmem>> -> memref<128xi32, #tpu.memory_space<vmem>>
        %dma_start3A_206 = arith.constant 0 : i32
        %dma_start3A_207 = arith.constant 0 : i32
        %dma_start3A_208 = tpu.memref_slice %arg3[%dma_start3A_206, %dma_start3A_207] : memref<100000x128xf32, #tpu.memory_space<hbm>> -> memref<100000x128xf32, #tpu.memory_space<hbm>>
        tpu.enqueue_indirect_dma source(%dma_start3A_208 : memref<100000x128xf32, #tpu.memory_space<hbm>>) target(%arg7 : memref<128x128xf32, #tpu.memory_space<vmem>>) offsets(%dma_start3A_205 : memref<128xi32, #tpu.memory_space<vmem>>) semaphore(%arg12 : memref<!tpu.dma_semaphore, #tpu.memory_space<semaphore_mem>>)
      } else {
      }
      %mul3A_146 = arith.constant 5 : i32
      %mul3A_147 = arith.muli %mul3A_146, %scan3A_70 : i32
      %add3A_148 = arith.constant 3 : i32
      %add3A_149 = arith.addi %mul3A_147, %add3A_148 : i32
      %dma_wait3A_150 = arith.constant 0 : i32
      %dma_wait3A_151 = arith.constant 0 : i32
      %dma_wait3A_152 = tpu.memref_slice %arg5[%dma_wait3A_150, %dma_wait3A_151] : memref<50x128xi32, #tpu.memory_space<vmem>> -> memref<1x128xi32, #tpu.memory_space<vmem>>
      %dma_wait3A_153 = tpu.memref_squeeze %dma_wait3A_152 : memref<1x128xi32, #tpu.memory_space<vmem>> -> memref<128xi32, #tpu.memory_space<vmem>>
      %dma_wait3A_154 = arith.constant 0 : i32
      %dma_wait3A_155 = arith.constant 0 : i32
      %dma_wait3A_156 = tpu.memref_slice %arg3[%dma_wait3A_154, %dma_wait3A_155] : memref<100000x128xf32, #tpu.memory_space<hbm>> -> memref<100000x128xf32, #tpu.memory_space<hbm>>
      tpu.wait_indirect_dma semaphore(%arg14 : memref<!tpu.dma_semaphore, #tpu.memory_space<semaphore_mem>>) src(%dma_wait3A_156 : memref<100000x128xf32, #tpu.memory_space<hbm>>) dst(%arg9 : memref<128x128xf32, #tpu.memory_space<vmem>>)
      %dma_start3A_157 = arith.constant 0 : i32
      %dma_start3A_158 = tpu.memref_slice %arg4[%add3A_149, %mul3A_2, %dma_start3A_157] : memref<50x4096x128xf32, #tpu.memory_space<hbm>> -> memref<1x128x128xf32, #tpu.memory_space<hbm>>
      %dma_start3A_159 = tpu.memref_squeeze %dma_start3A_158 : memref<1x128x128xf32, #tpu.memory_space<hbm>> -> memref<128x128xf32, #tpu.memory_space<hbm>>
      %dma_start3A_160 = arith.constant 0 : i32
      %dma_start3A_161 = tpu.memref_slice %arg4[%add3A_149, %mul3A_2, %dma_start3A_160] : memref<50x4096x128xf32, #tpu.memory_space<hbm>> -> memref<1x128x128xf32, #tpu.memory_space<hbm>>
      %dma_start3A_162 = tpu.memref_squeeze %dma_start3A_161 : memref<1x128x128xf32, #tpu.memory_space<hbm>> -> memref<128x128xf32, #tpu.memory_space<hbm>>
      tpu.enqueue_dma source(%arg9 : memref<128x128xf32, #tpu.memory_space<vmem>>) target(%dma_start3A_162 : memref<128x128xf32, #tpu.memory_space<hbm>>) target_semaphore(%arg19 : memref<!tpu.dma_semaphore, #tpu.memory_space<semaphore_mem>>)
      %add3A_163 = arith.constant 5 : i32
      %add3A_164 = arith.addi %add3A_149, %add3A_163 : i32
      %sub3A_165 = arith.constant 1 : i32
      %sub3A_166 = arith.subi %add3A_164, %sub3A_165 : i32
      %lt3A_167 = arith.constant 50 : i32
      %lt3A_168 = arith.cmpi slt, %sub3A_166, %lt3A_167 : i32
      %convert_element_type3A_169 = arith.extui %lt3A_168 : i1 to i32
      %cond3A_170 = arith.constant 0 : i32
      %cond3A_171 = arith.cmpi ne, %convert_element_type3A_169, %cond3A_170 : i32
      scf.if %cond3A_171 {
        %ge3A = arith.constant 5 : i32
        %ge3A_199 = arith.cmpi sge, %sub3A_166, %ge3A : i32
        %convert_element_type3A_200 = arith.extui %ge3A_199 : i1 to i32
        %cond3A_201 = arith.constant 0 : i32
        %cond3A_202 = arith.cmpi ne, %convert_element_type3A_200, %cond3A_201 : i32
        scf.if %cond3A_202 {
          %dma_wait3A_209 = arith.constant 0 : i32
          %dma_wait3A_210 = arith.constant 0 : i32
          %dma_wait3A_211 = tpu.memref_slice %arg4[%dma_wait3A_209, %mul3A_2, %dma_wait3A_210] : memref<50x4096x128xf32, #tpu.memory_space<hbm>> -> memref<1x128x128xf32, #tpu.memory_space<hbm>>
          %dma_wait3A_212 = tpu.memref_squeeze %dma_wait3A_211 : memref<1x128x128xf32, #tpu.memory_space<hbm>> -> memref<128x128xf32, #tpu.memory_space<hbm>>
          %dma_wait3A_213 = arith.constant 0 : i32
          %dma_wait3A_214 = tpu.memref_slice %arg4[%dma_wait3A_209, %mul3A_2, %dma_wait3A_213] : memref<50x4096x128xf32, #tpu.memory_space<hbm>> -> memref<1x128x128xf32, #tpu.memory_space<hbm>>
          %dma_wait3A_215 = tpu.memref_squeeze %dma_wait3A_214 : memref<1x128x128xf32, #tpu.memory_space<hbm>> -> memref<128x128xf32, #tpu.memory_space<hbm>>
          tpu.wait_dma2 semaphore(%arg18 : memref<!tpu.dma_semaphore, #tpu.memory_space<semaphore_mem>>) src(%arg8 : memref<128x128xf32, #tpu.memory_space<vmem>>) dst(%dma_wait3A_215 : memref<128x128xf32, #tpu.memory_space<hbm>>)
        } else {
        }
        %dma_start3A_203 = arith.constant 0 : i32
        %dma_start3A_204 = tpu.memref_slice %arg5[%sub3A_166, %dma_start3A_203] : memref<50x128xi32, #tpu.memory_space<vmem>> -> memref<1x128xi32, #tpu.memory_space<vmem>>
        %dma_start3A_205 = tpu.memref_squeeze %dma_start3A_204 : memref<1x128xi32, #tpu.memory_space<vmem>> -> memref<128xi32, #tpu.memory_space<vmem>>
        %dma_start3A_206 = arith.constant 0 : i32
        %dma_start3A_207 = arith.constant 0 : i32
        %dma_start3A_208 = tpu.memref_slice %arg3[%dma_start3A_206, %dma_start3A_207] : memref<100000x128xf32, #tpu.memory_space<hbm>> -> memref<100000x128xf32, #tpu.memory_space<hbm>>
        tpu.enqueue_indirect_dma source(%dma_start3A_208 : memref<100000x128xf32, #tpu.memory_space<hbm>>) target(%arg8 : memref<128x128xf32, #tpu.memory_space<vmem>>) offsets(%dma_start3A_205 : memref<128xi32, #tpu.memory_space<vmem>>) semaphore(%arg13 : memref<!tpu.dma_semaphore, #tpu.memory_space<semaphore_mem>>)
      } else {
      }
      %mul3A_172 = arith.constant 5 : i32
      %mul3A_173 = arith.muli %mul3A_172, %scan3A_70 : i32
      %add3A_174 = arith.constant 4 : i32
      %add3A_175 = arith.addi %mul3A_173, %add3A_174 : i32
      %dma_wait3A_176 = arith.constant 0 : i32
      %dma_wait3A_177 = arith.constant 0 : i32
      %dma_wait3A_178 = tpu.memref_slice %arg5[%dma_wait3A_176, %dma_wait3A_177] : memref<50x128xi32, #tpu.memory_space<vmem>> -> memref<1x128xi32, #tpu.memory_space<vmem>>
      %dma_wait3A_179 = tpu.memref_squeeze %dma_wait3A_178 : memref<1x128xi32, #tpu.memory_space<vmem>> -> memref<128xi32, #tpu.memory_space<vmem>>
      %dma_wait3A_180 = arith.constant 0 : i32
      %dma_wait3A_181 = arith.constant 0 : i32
      %dma_wait3A_182 = tpu.memref_slice %arg3[%dma_wait3A_180, %dma_wait3A_181] : memref<100000x128xf32, #tpu.memory_space<hbm>> -> memref<100000x128xf32, #tpu.memory_space<hbm>>
      tpu.wait_indirect_dma semaphore(%arg15 : memref<!tpu.dma_semaphore, #tpu.memory_space<semaphore_mem>>) src(%dma_wait3A_182 : memref<100000x128xf32, #tpu.memory_space<hbm>>) dst(%arg10 : memref<128x128xf32, #tpu.memory_space<vmem>>)
      %dma_start3A_183 = arith.constant 0 : i32
      %dma_start3A_184 = tpu.memref_slice %arg4[%add3A_175, %mul3A_2, %dma_start3A_183] : memref<50x4096x128xf32, #tpu.memory_space<hbm>> -> memref<1x128x128xf32, #tpu.memory_space<hbm>>
      %dma_start3A_185 = tpu.memref_squeeze %dma_start3A_184 : memref<1x128x128xf32, #tpu.memory_space<hbm>> -> memref<128x128xf32, #tpu.memory_space<hbm>>
      %dma_start3A_186 = arith.constant 0 : i32
      %dma_start3A_187 = tpu.memref_slice %arg4[%add3A_175, %mul3A_2, %dma_start3A_186] : memref<50x4096x128xf32, #tpu.memory_space<hbm>> -> memref<1x128x128xf32, #tpu.memory_space<hbm>>
      %dma_start3A_188 = tpu.memref_squeeze %dma_start3A_187 : memref<1x128x128xf32, #tpu.memory_space<hbm>> -> memref<128x128xf32, #tpu.memory_space<hbm>>
      tpu.enqueue_dma source(%arg10 : memref<128x128xf32, #tpu.memory_space<vmem>>) target(%dma_start3A_188 : memref<128x128xf32, #tpu.memory_space<hbm>>) target_semaphore(%arg20 : memref<!tpu.dma_semaphore, #tpu.memory_space<semaphore_mem>>)
      %add3A_189 = arith.constant 5 : i32
      %add3A_190 = arith.addi %add3A_175, %add3A_189 : i32
      %sub3A_191 = arith.constant 1 : i32
      %sub3A_192 = arith.subi %add3A_190, %sub3A_191 : i32
      %lt3A_193 = arith.constant 50 : i32
      %lt3A_194 = arith.cmpi slt, %sub3A_192, %lt3A_193 : i32
      %convert_element_type3A_195 = arith.extui %lt3A_194 : i1 to i32
      %cond3A_196 = arith.constant 0 : i32
      %cond3A_197 = arith.cmpi ne, %convert_element_type3A_195, %cond3A_196 : i32
      scf.if %cond3A_197 {
        %ge3A = arith.constant 5 : i32
        %ge3A_199 = arith.cmpi sge, %sub3A_192, %ge3A : i32
        %convert_element_type3A_200 = arith.extui %ge3A_199 : i1 to i32
        %cond3A_201 = arith.constant 0 : i32
        %cond3A_202 = arith.cmpi ne, %convert_element_type3A_200, %cond3A_201 : i32
        scf.if %cond3A_202 {
          %dma_wait3A_209 = arith.constant 0 : i32
          %dma_wait3A_210 = arith.constant 0 : i32
          %dma_wait3A_211 = tpu.memref_slice %arg4[%dma_wait3A_209, %mul3A_2, %dma_wait3A_210] : memref<50x4096x128xf32, #tpu.memory_space<hbm>> -> memref<1x128x128xf32, #tpu.memory_space<hbm>>
          %dma_wait3A_212 = tpu.memref_squeeze %dma_wait3A_211 : memref<1x128x128xf32, #tpu.memory_space<hbm>> -> memref<128x128xf32, #tpu.memory_space<hbm>>
          %dma_wait3A_213 = arith.constant 0 : i32
          %dma_wait3A_214 = tpu.memref_slice %arg4[%dma_wait3A_209, %mul3A_2, %dma_wait3A_213] : memref<50x4096x128xf32, #tpu.memory_space<hbm>> -> memref<1x128x128xf32, #tpu.memory_space<hbm>>
          %dma_wait3A_215 = tpu.memref_squeeze %dma_wait3A_214 : memref<1x128x128xf32, #tpu.memory_space<hbm>> -> memref<128x128xf32, #tpu.memory_space<hbm>>
          tpu.wait_dma2 semaphore(%arg19 : memref<!tpu.dma_semaphore, #tpu.memory_space<semaphore_mem>>) src(%arg9 : memref<128x128xf32, #tpu.memory_space<vmem>>) dst(%dma_wait3A_215 : memref<128x128xf32, #tpu.memory_space<hbm>>)
        } else {
        }
        %dma_start3A_203 = arith.constant 0 : i32
        %dma_start3A_204 = tpu.memref_slice %arg5[%sub3A_192, %dma_start3A_203] : memref<50x128xi32, #tpu.memory_space<vmem>> -> memref<1x128xi32, #tpu.memory_space<vmem>>
        %dma_start3A_205 = tpu.memref_squeeze %dma_start3A_204 : memref<1x128xi32, #tpu.memory_space<vmem>> -> memref<128xi32, #tpu.memory_space<vmem>>
        %dma_start3A_206 = arith.constant 0 : i32
        %dma_start3A_207 = arith.constant 0 : i32
        %dma_start3A_208 = tpu.memref_slice %arg3[%dma_start3A_206, %dma_start3A_207] : memref<100000x128xf32, #tpu.memory_space<hbm>> -> memref<100000x128xf32, #tpu.memory_space<hbm>>
        tpu.enqueue_indirect_dma source(%dma_start3A_208 : memref<100000x128xf32, #tpu.memory_space<hbm>>) target(%arg9 : memref<128x128xf32, #tpu.memory_space<vmem>>) offsets(%dma_start3A_205 : memref<128xi32, #tpu.memory_space<vmem>>) semaphore(%arg14 : memref<!tpu.dma_semaphore, #tpu.memory_space<semaphore_mem>>)
      } else {
      }
      %scan3A_198 = arith.constant 0 : i32
      scf.yield %scan3A_198 : i32
    }
    %scan3A_35 = arith.constant 10 : i32
    %dma_wait3A = arith.constant 0 : i32
    %dma_wait3A_36 = arith.constant 0 : i32
    %dma_wait3A_37 = tpu.memref_slice %arg4[%dma_wait3A, %mul3A_2, %dma_wait3A_36] : memref<50x4096x128xf32, #tpu.memory_space<hbm>> -> memref<1x128x128xf32, #tpu.memory_space<hbm>>
    %dma_wait3A_38 = tpu.memref_squeeze %dma_wait3A_37 : memref<1x128x128xf32, #tpu.memory_space<hbm>> -> memref<128x128xf32, #tpu.memory_space<hbm>>
    %dma_wait3A_39 = arith.constant 0 : i32
    %dma_wait3A_40 = tpu.memref_slice %arg4[%dma_wait3A, %mul3A_2, %dma_wait3A_39] : memref<50x4096x128xf32, #tpu.memory_space<hbm>> -> memref<1x128x128xf32, #tpu.memory_space<hbm>>
    %dma_wait3A_41 = tpu.memref_squeeze %dma_wait3A_40 : memref<1x128x128xf32, #tpu.memory_space<hbm>> -> memref<128x128xf32, #tpu.memory_space<hbm>>
    tpu.wait_dma2 semaphore(%arg16 : memref<!tpu.dma_semaphore, #tpu.memory_space<semaphore_mem>>) src(%arg6 : memref<128x128xf32, #tpu.memory_space<vmem>>) dst(%dma_wait3A_41 : memref<128x128xf32, #tpu.memory_space<hbm>>)
    %dma_wait3A_42 = arith.constant 0 : i32
    %dma_wait3A_43 = arith.constant 0 : i32
    %dma_wait3A_44 = tpu.memref_slice %arg4[%dma_wait3A_42, %mul3A_2, %dma_wait3A_43] : memref<50x4096x128xf32, #tpu.memory_space<hbm>> -> memref<1x128x128xf32, #tpu.memory_space<hbm>>
    %dma_wait3A_45 = tpu.memref_squeeze %dma_wait3A_44 : memref<1x128x128xf32, #tpu.memory_space<hbm>> -> memref<128x128xf32, #tpu.memory_space<hbm>>
    %dma_wait3A_46 = arith.constant 0 : i32
    %dma_wait3A_47 = tpu.memref_slice %arg4[%dma_wait3A_42, %mul3A_2, %dma_wait3A_46] : memref<50x4096x128xf32, #tpu.memory_space<hbm>> -> memref<1x128x128xf32, #tpu.memory_space<hbm>>
    %dma_wait3A_48 = tpu.memref_squeeze %dma_wait3A_47 : memref<1x128x128xf32, #tpu.memory_space<hbm>> -> memref<128x128xf32, #tpu.memory_space<hbm>>
    tpu.wait_dma2 semaphore(%arg17 : memref<!tpu.dma_semaphore, #tpu.memory_space<semaphore_mem>>) src(%arg7 : memref<128x128xf32, #tpu.memory_space<vmem>>) dst(%dma_wait3A_48 : memref<128x128xf32, #tpu.memory_space<hbm>>)
    %dma_wait3A_49 = arith.constant 0 : i32
    %dma_wait3A_50 = arith.constant 0 : i32
    %dma_wait3A_51 = tpu.memref_slice %arg4[%dma_wait3A_49, %mul3A_2, %dma_wait3A_50] : memref<50x4096x128xf32, #tpu.memory_space<hbm>> -> memref<1x128x128xf32, #tpu.memory_space<hbm>>
    %dma_wait3A_52 = tpu.memref_squeeze %dma_wait3A_51 : memref<1x128x128xf32, #tpu.memory_space<hbm>> -> memref<128x128xf32, #tpu.memory_space<hbm>>
    %dma_wait3A_53 = arith.constant 0 : i32
    %dma_wait3A_54 = tpu.memref_slice %arg4[%dma_wait3A_49, %mul3A_2, %dma_wait3A_53] : memref<50x4096x128xf32, #tpu.memory_space<hbm>> -> memref<1x128x128xf32, #tpu.memory_space<hbm>>
    %dma_wait3A_55 = tpu.memref_squeeze %dma_wait3A_54 : memref<1x128x128xf32, #tpu.memory_space<hbm>> -> memref<128x128xf32, #tpu.memory_space<hbm>>
    tpu.wait_dma2 semaphore(%arg18 : memref<!tpu.dma_semaphore, #tpu.memory_space<semaphore_mem>>) src(%arg8 : memref<128x128xf32, #tpu.memory_space<vmem>>) dst(%dma_wait3A_55 : memref<128x128xf32, #tpu.memory_space<hbm>>)
    %dma_wait3A_56 = arith.constant 0 : i32
    %dma_wait3A_57 = arith.constant 0 : i32
    %dma_wait3A_58 = tpu.memref_slice %arg4[%dma_wait3A_56, %mul3A_2, %dma_wait3A_57] : memref<50x4096x128xf32, #tpu.memory_space<hbm>> -> memref<1x128x128xf32, #tpu.memory_space<hbm>>
    %dma_wait3A_59 = tpu.memref_squeeze %dma_wait3A_58 : memref<1x128x128xf32, #tpu.memory_space<hbm>> -> memref<128x128xf32, #tpu.memory_space<hbm>>
    %dma_wait3A_60 = arith.constant 0 : i32
    %dma_wait3A_61 = tpu.memref_slice %arg4[%dma_wait3A_56, %mul3A_2, %dma_wait3A_60] : memref<50x4096x128xf32, #tpu.memory_space<hbm>> -> memref<1x128x128xf32, #tpu.memory_space<hbm>>
    %dma_wait3A_62 = tpu.memref_squeeze %dma_wait3A_61 : memref<1x128x128xf32, #tpu.memory_space<hbm>> -> memref<128x128xf32, #tpu.memory_space<hbm>>
    tpu.wait_dma2 semaphore(%arg19 : memref<!tpu.dma_semaphore, #tpu.memory_space<semaphore_mem>>) src(%arg9 : memref<128x128xf32, #tpu.memory_space<vmem>>) dst(%dma_wait3A_62 : memref<128x128xf32, #tpu.memory_space<hbm>>)
    %dma_wait3A_63 = arith.constant 0 : i32
    %dma_wait3A_64 = arith.constant 0 : i32
    %dma_wait3A_65 = tpu.memref_slice %arg4[%dma_wait3A_63, %mul3A_2, %dma_wait3A_64] : memref<50x4096x128xf32, #tpu.memory_space<hbm>> -> memref<1x128x128xf32, #tpu.memory_space<hbm>>
    %dma_wait3A_66 = tpu.memref_squeeze %dma_wait3A_65 : memref<1x128x128xf32, #tpu.memory_space<hbm>> -> memref<128x128xf32, #tpu.memory_space<hbm>>
    %dma_wait3A_67 = arith.constant 0 : i32
    %dma_wait3A_68 = tpu.memref_slice %arg4[%dma_wait3A_63, %mul3A_2, %dma_wait3A_67] : memref<50x4096x128xf32, #tpu.memory_space<hbm>> -> memref<1x128x128xf32, #tpu.memory_space<hbm>>
    %dma_wait3A_69 = tpu.memref_squeeze %dma_wait3A_68 : memref<1x128x128xf32, #tpu.memory_space<hbm>> -> memref<128x128xf32, #tpu.memory_space<hbm>>
    tpu.wait_dma2 semaphore(%arg20 : memref<!tpu.dma_semaphore, #tpu.memory_space<semaphore_mem>>) src(%arg10 : memref<128x128xf32, #tpu.memory_space<vmem>>) dst(%dma_wait3A_69 : memref<128x128xf32, #tpu.memory_space<hbm>>)
    return
  }
}

module attributes {stable_mosaic.version = 14 : i64} {
  func.func @_prescale_body(%arg0: i32, %arg1: memref<10000x128xf32, #tpu.memory_space<vmem>>, %arg2: memref<10000x128xf32, #tpu.memory_space<vmem>>) attributes {dimension_semantics = [#tpu.dimension_semantics<arbitrary>], iteration_bounds = array<i64: 10>, scalar_prefetch = 0 : i64, scratch_operands = 0 : i64, tpu.core_type = #tpu.core_type<tc>, window_params = [{transform_indices = @transform_0, window_bounds = array<i64: 10000, 128>}, {transform_indices = @transform_1, window_bounds = array<i64: 10000, 128>}]} {
    %get3A = arith.constant 0 : index
    %get3A_0 = arith.constant 0 : index
    %get3A_1 = vector.load %arg1[%get3A, %get3A_0] : memref<10000x128xf32, #tpu.memory_space<vmem>>, vector<10000x128xf32>
    %broadcast_in_dim3A = arith.constant 1.000000e+00 : f32
    %broadcast_in_dim3A_2 = vector.broadcast %broadcast_in_dim3A : f32 to vector<128x128xf32>
    %mul3A = arith.mulf %get3A_1, %get3A_1 : vector<10000x128xf32>
    %dot_general3A = arith.constant dense<0.000000e+00> : vector<10000x128xf32>
    %dot_general3A_3 = tpu.matmul %mul3A, %broadcast_in_dim3A_2, %dot_general3A {dimension_numbers = #tpu.dot_dimension_numbers<[1], [0], [0], [1], [0, 0, 1, 1], [], []>, transpose_lhs_hint = false} : vector<10000x128xf32>, vector<128x128xf32>, vector<10000x128xf32> -> vector<10000x128xf32>
    %gt3A = arith.constant 1.000000e+00 : f32
    %gt3A_4 = vector.broadcast %gt3A : f32 to vector<10000x128xf32>
    %gt3A_5 = arith.cmpf ogt, %dot_general3A_3, %gt3A_4 : vector<10000x128xf32>
    %rsqrt3A = math.rsqrt %dot_general3A_3 : vector<10000x128xf32>
    %jit3A = arith.constant 1.000000e+00 : f32
    %broadcast_in_dim3A_6 = vector.broadcast %jit3A : f32 to vector<10000x128xf32>
    %select_n3A = arith.select %gt3A_5, %rsqrt3A, %broadcast_in_dim3A_6 : vector<10000x128xi1>, vector<10000x128xf32>
    %mul3A_7 = arith.mulf %get3A_1, %select_n3A : vector<10000x128xf32>
    %swap3A = arith.constant 0 : index
    %swap3A_8 = arith.constant 0 : index
    %swap3A_9 = vector.load %arg2[%swap3A, %swap3A_8] : memref<10000x128xf32, #tpu.memory_space<vmem>>, vector<10000x128xf32>
    tpu.vector_store %arg2[%swap3A, %swap3A_8], %mul3A_7 {strides = array<i32>} : memref<10000x128xf32, #tpu.memory_space<vmem>>, vector<10000x128xf32>,
    return
  }
  func.func @transform_0(%arg0: i32) -> (i32, i32) {
    %c0_i32 = arith.constant 0 : i32
    %c0_i32_0 = arith.constant 0 : i32
    return %arg0, %c0_i32 : i32, i32
  }
  func.func @transform_1(%arg0: i32) -> (i32, i32) {
    %c0_i32 = arith.constant 0 : i32
    %c0_i32_0 = arith.constant 0 : i32
    return %arg0, %c0_i32 : i32, i32
  }
}

</mosaic_0001>

<sc_bundles>
// kernel: kernel.4.cloned.1.call-start
scs
__scs_entry_jumppad:
0x0: {  	(pc) =	sbr.rel $0x88, $3  }
0x1: {  	(tag) =	ssettag $0x0;
	lr =	simm.s32 $0x1  }
0x2: {  	[smem:$0x3F9F] =	sst lr;
	_ =	strace $0xD0000000  }
0x3: {  	_ = 	snop  }
0x4: {  	_ = 	snop  }
0x5: {  	_ = 	snop  }
0x6: {  	_ = 	snop  }
0x7: {  	_ = 	snop  }
__scs_overlays_trampoline_lowered:
0x8: {  	[smem:$0x3FAE] =	sst s0  }
0x9: {  	[smem:$0x3FAF] =	sst s1  }
0xa: {  	[smem:$0x3FB0] =	sst s2  }
0xb: {  	[smem:$0x3FB1] =	sst s3  }
0xc: {  	[smem:$0x3FB2] =	sst s4  }
0xd: {  	[smem:$0x3FB3] =	sst s5  }
0xe: {  	[smem:$0x3FB4] =	sst s6  }
0xf: {  	[smem:$0x3FB5] =	sst s7  }
0x10: {  	[smem:$0x3FB6] =	sst s8  }
0x11: {  	[smem:$0x3FB7] =	sst s9;
	s0 =	simm.s32 @!p0 $0x0  }
0x12: {  	s1 =	sld [smem:$0x3F9D];
	s0 =	simm.s32 @p0 $0x1  }
0x13: {  	[smem:$0x3FB8] =	sst s0;
	s0 =	simm.s32 @!p1 $0x0  }
0x14: {  	s2 =	sld [smem:$0x3F9C];
	s0 =	simm.s32 @p1 $0x1  }
0x15: {  	[smem:$0x3FB9] =	sst s0;
	s0 =	simm.s32 @!p2 $0x0  }
0x16: {  	s3 =	sld [smem:$0x3FDB];
	s0 =	simm.s32 @p2 $0x1  }
0x17: {  	s4 =	simm.s32 $0x1BF5;
	[smem:$0x3FBB] =	sst s0  }
0x18: {  	s0 =	sld [smem:$0x3F9E];
	_ =	swait.ge [sflag:s4], $0x0  }
0x19: {  	s7 =	sld [smem:$0x3F9F]  }
0x1a: {  	s8 =	sadd.s32 $0xFFFFE003, lr  }
0x1b: {  	s9 =	sadd.s32 $0xFFFFFEF7, lr;
	s5 =	simm.s32 $0xFFFFFFFF;
	p2 =	slt.u32 s8, $0xFFFFF086  }
0x1c: {  	p1 =	slt.u32 s9, $0xF7A;
	s5 =	simm.s32 @!p2 $0x0  }
0x1d: {  	s5 =	simm.s32 @p1 $0x1;
	p0 =	seq.s32 s7, s2  }
0x1e: {  	s7 =	smul.u32 @!p0 $0xF7A, s2;
	p2 =	seq.s32 @!p0 s5, $0x0  }
0x1f: {  	s9 =	smul.u32 $0xF7A, s1;
	s8 =	simm.s32 @!p0 $0x1BF5;
	p2 =	por !p2, p0  }
0x20: {  	[sflag:s8] =	ssyncset.s32 @!p0 $0xFFFFF086;
	s6 =	sadd.s32 @!p0 s3, s7;
	s7 =	simm.s32 @!p0 $0x108  }
0x21: {  	s3 =	sadd.s32 s3, s9;
	s6 =	sadd.s32 @!p0 $0x88, s6;
	s7 =	simm.s32 @p2 $0x1082  }
0x22: {  	[simem:s7], [sflag:s8] =	dma.local @!p0 [hbm:s6], $0xF7A  }
0x23: {  	s9 =	sor.u32 $0xD0000000, s2;
	s6 =	simm.s32 $0x108;
	_ =	swait.ge @!p0 [sflag:s8], $0x0  }
0x24: {  	s3 =	sadd.s32 $0x88, s3;
	s6 =	simm.s32 @!p1 $0x1082;
	[sflag:s4] =	ssyncset.s32 $0xFFFFF086  }
0x25: {  	[simem:s6], [sflag:s4] =	dma.local [hbm:s3], $0xF7A  }
0x26: {  	[smem:$0x3F9F] =	sst s1;
	(tag) =	ssettag s2;
	_ =	strace s9  }
0x27: {  	s1 =	sld [smem:$0x3FAF]  }
0x28: {  	s2 =	sld [smem:$0x3FB0]  }
0x29: {  	s4 =	sld [smem:$0x3FB2]  }
0x2a: {  	p0 =	seq.s32 s5, $0x0;
	s5 =	sld [smem:$0x3FB3]  }
0x2b: {  	s6 =	sld [smem:$0x3FB4]  }
0x2c: {  	s7 =	sld [smem:$0x3FB5]  }
0x2d: {  	s3 =	simm.s32 $0x108;
	s8 =	sld [smem:$0x3FB6]  }
0x2e: {  	s3 =	simm.s32 @!p0 $0x1082;
	s9 =	sld [smem:$0x3FB7]  }
0x2f: {  	lr =	sadd.s32 s0, s3;
	s0 =	sld [smem:$0x3FAE]  }
0x30: {  	s3 =	sld [smem:$0x3FB1]  }
0x31: {  	[smem:$0x3FBA] =	sst s10  }
0x32: {  	s10 =	sld [smem:$0x3FB8];
	_ =	sdelay $0x3  }
0x33: {  	p0 =	seq.s32 s10, $0x1;
	s10 =	sld [smem:$0x3FBA];
	_ =	sdelay $0x3  }
0x34: {  	[smem:$0x3FBA] =	sst s10  }
0x35: {  	s10 =	sld [smem:$0x3FB9];
	_ =	sdelay $0x3  }
0x36: {  	p1 =	seq.s32 s10, $0x1;
	s10 =	sld [smem:$0x3FBA];
	_ =	sdelay $0x3  }
0x37: {  	[smem:$0x3FBA] =	sst s10  }
0x38: {  	s10 =	sld [smem:$0x3FBB]  }
0x39: {  	_ = 	snop;
	(pc) =	sbr.ind lr, $3  }
0x3a: {  	_ = 	snop  }
0x3b: {  	_ = 	snop  }
0x3c: {  	p2 =	seq.s32 s10, $0x1;
	s10 =	sld [smem:$0x3FBA]  }
0x3d: {  	_ =	shalt  }
0x3e: {  	_ =	shalt  }
0x3f: {  	_ =	shalt  }
0x40: {  	_ =	shalt  }
0x41: {  	_ =	shalt  }
0x42: {  	_ =	shalt  }
0x43: {  	_ =	shalt  }
0x44: {  	_ =	shalt  }
0x45: {  	_ =	shalt  }
0x46: {  	_ =	shalt  }
0x47: {  	_ =	shalt  }
0x48: {  	_ =	shalt  }
0x49: {  	_ =	shalt  }
0x4a: {  	_ =	shalt  }
0x4b: {  	_ =	shalt  }
0x4c: {  	_ =	shalt  }
0x4d: {  	_ =	shalt  }
0x4e: {  	_ =	shalt  }
0x4f: {  	_ =	shalt  }
0x50: {  	_ =	shalt  }
0x51: {  	_ =	shalt  }
0x52: {  	_ =	shalt  }
0x53: {  	_ =	shalt  }
0x54: {  	_ =	shalt  }
0x55: {  	_ =	shalt  }
0x56: {  	_ =	shalt  }
0x57: {  	_ =	shalt  }
0x58: {  	_ =	shalt  }
0x59: {  	_ =	shalt  }
0x5a: {  	_ =	shalt  }
0x5b: {  	_ =	shalt  }
0x5c: {  	_ =	shalt  }
0x5d: {  	_ =	shalt  }
0x5e: {  	_ =	shalt  }
0x5f: {  	_ =	shalt  }
0x60: {  	_ =	shalt  }
0x61: {  	_ =	shalt  }
0x62: {  	_ =	shalt  }
0x63: {  	_ =	shalt  }
0x64: {  	_ =	shalt  }
0x65: {  	_ =	shalt  }
0x66: {  	_ =	shalt  }
0x67: {  	_ =	shalt  }
0x68: {  	_ =	shalt  }
0x69: {  	_ =	shalt  }
0x6a: {  	_ =	shalt  }
0x6b: {  	_ =	shalt  }
0x6c: {  	_ =	shalt  }
0x6d: {  	_ =	shalt  }
0x6e: {  	_ =	shalt  }
0x6f: {  	_ =	shalt  }
0x70: {  	_ =	shalt  }
0x71: {  	_ =	shalt  }
0x72: {  	_ =	shalt  }
0x73: {  	_ =	shalt  }
0x74: {  	_ =	shalt  }
0x75: {  	_ =	shalt  }
0x76: {  	_ =	shalt  }
0x77: {  	_ =	shalt  }
0x78: {  	_ =	shalt  }
0x79: {  	_ =	shalt  }
0x7a: {  	_ =	shalt  }
0x7b: {  	_ =	shalt  }
0x7c: {  	_ =	shalt  }
0x7d: {  	_ =	shalt  }
0x7e: {  	_ =	shalt  }
0x7f: {  	_ =	shalt  }
0x80: {  	_ =	shalt  }
0x81: {  	_ =	shalt  }
0x82: {  	_ =	shalt  }
0x83: {  	_ =	shalt  }
0x84: {  	_ =	shalt  }
0x85: {  	_ =	shalt  }
0x86: {  	_ =	shalt  }
0x87: {  	_ =	shalt  }
.Lfunc_end0:
.L_simem_size_0:
called_computation_lowered:
.L_overlay_start_0:
0x88: {  	s2 =	sld [smem:$0x3FD9]  }
0x89: {  	s3 =	sld [smem:$0x3FFE];
	_ =	sdelay $0x1  }
0x8a: {  	s1 =	srdreg.scid  }
0x8b: {  	s0 =	sand.u32 $0x1, s1  }
0x8c: {  	s17 =	sshll.u32 s0, $0xA;
	s2 =	sadd.s32 s3, s2  }
0x8d: {  	s2 =	sadd.s32 s2, s17  }
0x8e: {  	[smem:$0x3FC6] =	sst s2  }
0x8f: {  	_ = 	snop  }
0x90: {  	s2 =	sld [smem:$0x3FD0];
	(tm) =	ssettm $0x1  }
0x91: {  	s18 =	sld [smem:$0x3FFB];
	_ =	sdelay $0x3  }
0x92: {  	_ =	strace s18  }
0x93: {  	s3 =	sld [smem:$0x3FFC];
	_ =	sdelay $0x3  }
0x94: {  	_ =	strace s3  }
0x95: {  	s3 =	sld [smem:$0x3FFD];
	_ =	sdelay $0x3  }
0x96: {  	_ =	strace s3  }
0x97: {  	_ =	strace $0x8FFFFFFF  }
0x98: {  	s19 =	sld [smem:$0x3FDB];
	_ =	sdelay $0x1  }
0x99: {  	s4 =	simm.s32 $_scs_section_size  }
0x9a: {  	s5 =	simm.s32 $_size__tile_overlayer_lowered;
	s6 =	simm.s32 $_tile_overlayer_lowered  }
0x9b: {  	s22 =	simm.s32 $0x1BFF;
	s21 =	sshll.u32 s6, $0x1;
	s3 =	sadd.s32 s4, s19  }
0x9c: {  	s7 =	simm.s32 $0x0;
	s20 =	sshll.u32 s5, $0x1;
	s5 =	sadd.s32 s21, s3  }
0x9d: {  	[timem:s7], [sflag:s22] =	dma.local [hbm:s5], s20  }
0x9e: {  	_ =	swait.ge [sflag:s22], s20  }
0x9f: {  	s4 =	ssub.s32 $0x0, s20;
	[sflag:s22] =	ssyncset.done $0x0  }
0xa0: {  	[sflag:s22] =	ssyncadd.s32 s4;
	_ =	sdelay $0x1  }
0xa1: {  	s23 =	simm.s32 $0x1B8B  }
0xa2: {  	_ =	swait.ge [sflag:s23], $0x1  }
0xa3: {  	[sflag:s23] =	ssyncset.done $0x0  }
0xa4: {  	s25 =	simm.s32 $0x1B8E;
	s24 =	sld [smem:$0x3FFE];
	[sflag:s23] =	ssyncadd.s32 $0xFFFFFFFF  }
0xa5: {  	s26 =	simm.s32 $execute0_lowered;
	[smem:$0x3FD2] =	sst s25  }
0xa6: {  	s5 =	sshll.u32 s26, $0x1;
	_ =	strace $0x80000046;
	[dreg:$0x1] =	wrdreg $0xFFFFFFFF  }
0xa7: {  	s28 =	simm.s32 $_size_execute0_lowered;
	s3 =	sadd.s32 s3, s5;
	[dreg:$0x0] =	wrdreg $0x0  }
0xa8: {  	s5 =	sshll.u32 s28, $0x1;
	[dreg:$0x2] =	wrdreg s3  }
0xa9: {  	[dreg:$0x3] =	wrdreg s5  }
0xaa: {  	[dreg:$0x4] =	wrdreg $0xC0  }
0xab: {  	_ =	task [dreg:s7], $0x5FFFF  }
0xac: {  	[dreg:$0x1] =	wrdreg $0xFFFFFFFF  }
0xad: {  	[dreg:$0x0] =	wrdreg $0x60  }
0xae: {  	[dreg:$0x2] =	wrdreg s24  }
0xaf: {  	[dreg:$0x3] =	wrdreg s2  }
0xb0: {  	[dreg:$0x4] =	wrdreg $0x9  }
0xb1: {  	_ =	task.clear_ibuf [dreg:s7], $0x5FFFF;
	_ =	strace $0x90000046  }
0xb2: {  	s29 =	simm.s32 $0x9;
	_ =	strace $0x80000048  }
0xb3: {  	_ =	swait.ge [sflag:s29], $0x1  }
0xb4: {  	[sflag:s29] =	ssyncadd.s32 $0xFFFFFFFF  }
0xb5: {  	_ =	strace $0x90000048  }
0xb6: {  	_ =	sfence  }
0xb7: {  	s30 =	sld [smem:$0x0];
	_ =	sdelay $0x2  }
0xb8: {  	s31 =	sshll.u32 s1, $0xD;
	s1 =	sshrl.u32 s1, $0x2  }
0xb9: {  	s3 =	sand.u32 $0x4000, s31;
	s1 =	sadd.s32 s1, s30  }
0xba: {  	s0 =	sor.u32 s3, s0;
	s1 =	sshll.u32 s1, $0x11  }
0xbb: {  	s0 =	sor.u32 s1, s0  }
0xbc: {  	s0 =	sadd.s32 $0x8F2B, s0  }
0xbd: {  	[sflag:s0] =	ssyncadd.remote.s32 $0x1  }
0xbe: {  	_ =	sfence.sel $0xFFFF  }
0xbf: {  	[dreg:$0x0] =	wrdreg $0xFFFFFFFF;
	(pc) =	sbr.abs _section_cstart, $3  }
0xc0: {  	[dreg:$0x1] =	wrdreg $0xFFFFFFFF  }
0xc1: {  	_ =	task.clear_ibuf [dreg:s7], $0x2FFFF;
	_ =	strace $0x9FFFFFFF  }
0xc2: {  	(tm) =	ssettm $0x7FFFFFFF  }
0xc3: {  	_ =	shalt  }
tec
execute0_lowered:
.L_overlay_start_1:
0x0: {  	(tag) =	ssettag $0x1  }
0x1: {  	s0 =	rddreg [dreg:$0x0];
	s1 =	srdreg.scid  }
0x2: {  	s8 =	stileid.u32;
	s4 =	rddreg [dreg:$0x1];
	s2 =	simm.s32 $0x0  }
0x3: {  	s12 =	simm.s32 $0xB;
	s13 =	simm.s32 $0x80;
	s28 =	simm.s32 $0x8  }
0x4: {  	s29 =	simm.s32 $0x9;
	s30 =	simm.s32 $0xA;
	s31 =	simm.s32 $0x0  }
0x5: {  	s1 =	sand.u32 $0x1, s1;
	s3 =	sshll.u32 s8, $0x1;
	[smem:$0x7FF] =	sst s2  }
0x6: {  	s15 =	sshll.u32 s8, $0xF;
	s5 =	sor.u32 s1, s3;
	_ =	strace $0x80000047  }
0x7: {  	s6 =	ssub.s32 $0x2, s1;
	s1 =	sshll.u32 s1, $0xE;
	s3 =	smul.u32 $0x380, s5  }
0x8: {  	s14 =	sshrl.u32 s6, $0x1;
	s5 =	sshll.u32 s5, $0xB;
	s1 =	sor.u32 s1, s15  }
0x9: {  	s15 =	simm.s32 $0x5C00;
	s16 =	sadd.s32 s5, s4;
	s17 =	sor.u32 $0x180000, s1  }
0xa: {  	s19 =	sor.u32 $0x100000, s1;
	s21 =	sor.u32 $0x80000, s1;
	s23 =	sor.u32 $0x200000, s1  }
0xb: {  	s24 =	sshrl.u32 s1, $0x3;
	s7 =	sadd.s32 s3, s0;
	s3 =	sadd.s32 $0x7400, s0  }
0xc: {  	s0 =	ssub.s32 s6, s14;
	s6 =	sadd.s32 $0x2F0000, s16;
	s18 =	sshrl.u32 s17, $0x3  }
0xd: {  	s20 =	sshrl.u32 s19, $0x3;
	s22 =	sshrl.u32 s21, $0x3;
	s25 =	sshrl.u32 s23, $0x3  }
0xe: {  	s14 =	simm.s32 $0x1C00;
	s19 =	simm.s32 $0xDC00;
	s7 =	sadd.s32 $0x400, s7  }
0xf: {  	s21 =	simm.s32 $0x11C00;
	s0 =	smax.u32 s0, $0x1;
	[dreg:$0x3] =	wrdreg s7  }
0x10: {  	s23 =	simm.s32 $0x4;
	s26 =	sadd.s32 s25, s4;
	[dreg:$0x4] =	wrdreg s0  }
.Ltmp0:
0x11: {  	s0 =	sadd.s32 s18, s4;
	[dreg:$0x9] =	wrdreg s26;
	(pc) =	sbr.rel .LBB2_1-.Ltmp0, $4  }
0x12: {  	s25 =	simm.s32 $0x6;
	[dreg:$0x5] =	wrdreg s0;
	s0 =	sadd.s32 s20, s4  }
0x13: {  	s26 =	simm.s32 $0x7;
	[dreg:$0x6] =	wrdreg s0;
	s0 =	sadd.s32 s22, s4  }
0x14: {  	s20 =	simm.s32 $0x1;
	[dreg:$0x7] =	wrdreg s0;
	s0 =	sadd.s32 s24, s4  }
0x15: {  	s22 =	simm.s32 $0x2;
	s24 =	simm.s32 $0x5;
	[dreg:$0x8] =	wrdreg s0  }
.LBB2_4:
0x16: {  	_ =	swait.ge [sflag:s25], $0x4000  }
0x17: {  	[sflag:s25] =	ssyncset.done $0x0  }
0x18: {  	[sflag:s25] =	ssyncadd.s32 $0xFFFFC000  }
0x19: {  	_ =	swait.ge [sflag:s26], $0x4000  }
0x1a: {  	[sflag:s26] =	ssyncset.done $0x0  }
0x1b: {  	[sflag:s26] =	ssyncadd.s32 $0xFFFFC000  }
0x1c: {  	_ =	swait.ge [sflag:s28], $0x4000  }
0x1d: {  	[sflag:s28] =	ssyncset.done $0x0  }
0x1e: {  	[sflag:s28] =	ssyncadd.s32 $0xFFFFC000  }
0x1f: {  	_ =	swait.ge [sflag:s29], $0x4000  }
0x20: {  	[sflag:s29] =	ssyncset.done $0x0  }
0x21: {  	[sflag:s29] =	ssyncadd.s32 $0xFFFFC000  }
0x22: {  	_ =	swait.ge [sflag:s30], $0x4000  }
0x23: {  	s31 =	sadd.s32 $0x1, s31;
	s0 =	rddreg [dreg:$0x4]  }
0x24: {  	p0 =	sne.s32 s31, s0  }
.Ltmp1:
0x25: {  	_ = 	snop;
	(pc) =	sbr.rel @!p0 .LBB2_5-.Ltmp1, $3  }
0x26: {  	_ =	sdelay $0x1  }
0x27: {  	[sflag:s30] =	ssyncset.done $0x0  }
0x28: {  	[sflag:s30] =	ssyncadd.s32 $0xFFFFC000  }
.LBB2_1:
0x29: {  	s0 =	rddreg [dreg:$0x3]  }
0x2a: {  	[tilespmem:s2], [sflag:$0xB] =	stream.linear.gather [hbm4b:s0+s2], $0x1900, $0x38;
	[tilespmem:$0x15C00] =	vst v63  }
0x2b: {  	_ =	swait.ge [sflag:s12], $0x1900  }
0x2c: {  	[sflag:s12] =	ssyncset.done $0x0;
	s11 =	rddreg [dreg:$0x9]  }
0x2d: {  	s10 =	rddreg [dreg:$0x8];
	[sflag:s12] =	ssyncadd.s32 $0xFFFFE700  }
0x2e: {  	[tilespmem:s14], [sflag:$0x1] =	stream.indirect.gather [hbm4b:s3+s13], $0x80, s2, s13, $0xb8;
	[tilespmem:$0x15C00] =	vst v63  }
0x2f: {  	s9 =	rddreg [dreg:$0x7]  }
0x30: {  	[tilespmem:s15], [sflag:$0x2] =	stream.indirect.gather [hbm4b:s3+s13], $0x80, s13, s13, $0xb8;
	[tilespmem:$0x15C00] =	vst v63  }
0x31: {  	s17 =	simm.s32 $0x100;
	s1 =	simm.s32 $0x9C00;
	s8 =	rddreg [dreg:$0x6]  }
0x32: {  	[tilespmem:s1], [sflag:$0x3] =	stream.indirect.gather [hbm4b:s3+s13], $0x80, s17, s13, $0xb8;
	[tilespmem:$0x15C00] =	vst v63  }
0x33: {  	s18 =	simm.s32 $0x180;
	s4 =	simm.s32 $0x0;
	s7 =	rddreg [dreg:$0x5]  }
0x34: {  	[tilespmem:s19], [sflag:$0x4] =	stream.indirect.gather [hbm4b:s3+s13], $0x80, s18, s13, $0xb8;
	[tilespmem:$0x15C00] =	vst v63  }
.LBB2_2:
0x35: {  	_ =	swait.ge [sflag:s20], $0x4000  }
0x36: {  	p0 =	seq.s32 s4, $0x0;
	[sflag:s20] =	ssyncset.done $0x0  }
0x37: {  	s18 =	simm.s32 @!p0 $0xA;
	[sflag:s20] =	ssyncadd.s32 $0xFFFFC000  }
0x38: {  	[hbm4b:s10+s2] =	stream.linear.scatter [tilespmem:s14], [sflag:$0x6], $0x4000, $0x38;
	[tilespmem:$0x15C00] =	vst v63  }
0x39: {  	_ =	swait.ge @!p0 [sflag:s18], $0x4000  }
0x3a: {  	s5 =	sshra.s32 s4, $0x2;
	[sflag:s18] =	ssyncset.done @!p0 $0x0  }
0x3b: {  	s17 =	sadd.s32 $0x200, s5;
	[sflag:s18] =	ssyncadd.s32 @!p0 $0xFFFFC000  }
0x3c: {  	[tilespmem:s21], [sflag:$0x5] =	stream.indirect.gather [hbm4b:s3+s13], $0x80, s17, s13, $0xb8;
	[tilespmem:$0x15C00] =	vst v63  }
0x3d: {  	_ =	swait.ge [sflag:s22], $0x4000  }
0x3e: {  	p0 =	seq.s32 s4, $0x5A00;
	[sflag:s22] =	ssyncset.done $0x0  }
0x3f: {  	s18 =	simm.s32 @p0 $0x3;
	[sflag:s22] =	ssyncadd.s32 $0xFFFFC000  }
0x40: {  	[hbm4b:s9+s2] =	stream.linear.scatter [tilespmem:s15], [sflag:$0x7], $0x4000, $0x38;
	[tilespmem:$0x15C00] =	vst v63  }
0x41: {  	_ =	swait.ge @p0 [sflag:s18], $0x4000  }
0x42: {  	[sflag:s18] =	ssyncset.done @p0 $0x0  }
0x43: {  	s17 =	simm.s32 @p0 $0x9C00;
	[sflag:s18] =	ssyncadd.s32 @p0 $0xFFFFC000;
	s18 =	simm.s32 @p0 $0x0  }
0x44: {  	[hbm4b:s6+s18] =	stream.linear.scatter @p0 [tilespmem:s17], [sflag:$0x8], $0x4000, $0x38;
	[tilespmem:$0x15C00] =	vst v63  }
0x45: {  	s17 =	simm.s32 @!p0 $0x6  }
0x46: {  	_ =	swait.ge @!p0 [sflag:s17], $0x4000  }
0x47: {  	[sflag:s17] =	ssyncset.done @!p0 $0x0  }
0x48: {  	[sflag:s17] =	ssyncadd.s32 @!p0 $0xFFFFC000;
	s17 =	sshra.s32 @!p0 s4, $0x2  }
0x49: {  	s16 =	simm.s32 @!p0 $0x80;
	s0 =	simm.s32 @!p0 $0x1C00;
	s18 =	sadd.s32 @!p0 $0x280, s17  }
0x4a: {  	[tilespmem:s0], [sflag:$0x1] =	stream.indirect.gather @!p0 [hbm4b:s3+s16], $0x80, s18, s16, $0xb8;
	[tilespmem:$0x15C00] =	vst v63  }
0x4b: {  	s0 =	simm.s32 @!p0 $0x3  }
0x4c: {  	_ =	swait.ge @!p0 [sflag:s0], $0x4000  }
0x4d: {  	[sflag:s0] =	ssyncset.done @!p0 $0x0  }
0x4e: {  	s18 =	simm.s32 @!p0 $0x9C00;
	[sflag:s0] =	ssyncadd.s32 @!p0 $0xFFFFC000;
	s0 =	simm.s32 @!p0 $0x0  }
0x4f: {  	[hbm4b:s8+s0] =	stream.linear.scatter @!p0 [tilespmem:s18], [sflag:$0x8], $0x4000, $0x38;
	[tilespmem:$0x15C00] =	vst v63  }
0x50: {  	s0 =	simm.s32 @!p0 $0x7  }
0x51: {  	_ =	swait.ge @!p0 [sflag:s0], $0x4000  }
0x52: {  	[sflag:s0] =	ssyncset.done @!p0 $0x0  }
0x53: {  	s1 =	simm.s32 @!p0 $0x5C00;
	[sflag:s0] =	ssyncadd.s32 @!p0 $0xFFFFC000;
	s0 =	sadd.s32 @!p0 $0x300, s17  }
0x54: {  	[tilespmem:s1], [sflag:$0x2] =	stream.indirect.gather @!p0 [hbm4b:s3+s16], $0x80, s0, s16, $0xb8;
	[tilespmem:$0x15C00] =	vst v63  }
0x55: {  	_ =	swait.ge [sflag:s23], $0x4000  }
0x56: {  	[sflag:s23] =	ssyncset.done $0x0  }
0x57: {  	s0 =	simm.s32 @!p0 $0x8;
	[sflag:s23] =	ssyncadd.s32 $0xFFFFC000  }
0x58: {  	[hbm4b:s7+s2] =	stream.linear.scatter [tilespmem:s19], [sflag:$0x9], $0x4000, $0x38;
	[tilespmem:$0x15C00] =	vst v63  }
0x59: {  	_ =	swait.ge @!p0 [sflag:s0], $0x4000  }
0x5a: {  	[sflag:s0] =	ssyncset.done @!p0 $0x0  }
0x5b: {  	[sflag:s0] =	ssyncadd.s32 @!p0 $0xFFFFC000;
	s0 =	sadd.s32 @!p0 $0x380, s17  }
0x5c: {  	[tilespmem:s18], [sflag:$0x3] =	stream.indirect.gather @!p0 [hbm4b:s3+s16], $0x80, s0, s16, $0xb8;
	[tilespmem:$0x15C00] =	vst v63  }
.Ltmp2:
0x5d: {  	_ = 	snop;
	(pc) =	sbr.rel @p0 .LBB2_4-.Ltmp2, $4  }
0x5e: {  	_ =	swait.ge [sflag:s24], $0x4000  }
0x5f: {  	[sflag:s24] =	ssyncset.done $0x0  }
0x60: {  	[sflag:s24] =	ssyncadd.s32 $0xFFFFC000  }
0x61: {  	[hbm4b:s11+s2] =	stream.linear.scatter [tilespmem:s21], [sflag:$0xA], $0x4000, $0x38;
	[tilespmem:$0x15C00] =	vst v63  }
.Ltmp3:
0x62: {  	_ =	swait.ge [sflag:s29], $0x4000;
	(pc) =	sbr.rel .LBB2_2-.Ltmp3, $4  }
0x63: {  	s0 =	sadd.s32 $0x400, s5;
	s4 =	sadd.s32 $0xA00, s4;
	s7 =	sadd.s32 $0x50000, s7  }
0x64: {  	s8 =	sadd.s32 $0x50000, s8;
	s9 =	sadd.s32 $0x50000, s9;
	[sflag:s29] =	ssyncset.done $0x0  }
0x65: {  	s10 =	sadd.s32 $0x50000, s10;
	s11 =	sadd.s32 $0x50000, s11;
	[sflag:s29] =	ssyncadd.s32 $0xFFFFC000  }
0x66: {  	[tilespmem:s19], [sflag:$0x4] =	stream.indirect.gather [hbm4b:s3+s13], $0x80, s0, s13, $0xb8;
	[tilespmem:$0x15C00] =	vst v63  }
.LBB2_5:
0x67: {  	_ =	sfence.sel $0x180000  }
0x68: {  	[bflag:$0x0] =	sbarrier.arrive $0xFFFF  }
0x69: {  	_ =	strace $0x90000047  }
0x6a: {  	s0 =	stileid.u32;
	[bflag:$0x2] =	sbarrier.arrive $0xFFFF  }
0x6b: {  	p0 =	sne.s32 s0, $0x0;
	s0 =	rddreg [dreg:$0x2]  }
0x6c: {  	s0 =	sadd.s32 @!p0 $0x100000, s0  }
0x6d: {  	[sflag:s0] =	ssyncadd.tile.s32 @!p0 $0x1;
	_ =	shalt  }
.Lfunc_end2:
_tile_overlayer_lowered:
.L_overlay_start_2:
0x6e: {  	(tag) =	ssettag $0x2  }
0x6f: {  	s0 =	rddreg [dreg:$0x0];
	s2 =	stileid.u32  }
0x70: {  	s1 =	rddreg [dreg:$0x1];
	p0 =	sne.s32 s2, $0x0  }
0x71: {  	s3 =	rddreg [dreg:$0x2];
	[bflag:$0x3] =	sbarrier.arrive $0xFFFF;
	s2 =	simm.s32 @!p0 $0x1C0B  }
0x72: {  	[timem:s3], [sflag:s2] =	dma.local @!p0 [hbm:s0], s1  }
0x73: {  	s0 =	simm.s32 @!p0 $0xB  }
0x74: {  	_ =	swait.ge @!p0 [sflag:s0], s1  }
0x75: {  	s1 =	ssub.s32 @!p0 $0x0, s1;
	[sflag:s0] =	ssyncset.done @!p0 $0x0  }
0x76: {  	[sflag:s0] =	ssyncadd.s32 @!p0 s1  }
0x77: {  	[bflag:$0x3] =	sbarrier.arrive $0xFFFF  }
0x78: {  	_ =	shalt  }

</sc_bundles>
